<compile_context>
chip_gen: v7x
topology: tpu7x:2x2x1
jax: 0.10.2.dev20260603
libtpu: 0.0.44.dev20260713+nightly
codegen_flags: <defaults>
</compile_context>

<pallas_src>
import dataclasses

import jax
import jax.numpy as jnp
from jax import lax
from jax.experimental import pallas as pl
from jax.experimental.pallas import tpu as pltpu
from jax.experimental.pallas import tpu_sc as plsc

N = 10000
E = 320000
D = 128

NC = 2
NS = 16
NW = NC * NS
C = 128
NCHUNK = 81
EPW = C * NCHUNK
EPAD = NW * EPW
NPAD_DST = 240
NP = N + NPAD_DST
RPS = NP // NS


def _sc_params():
    cp = pltpu.CompilerParams()
    if "needs_layout_passes" in pltpu.CompilerParams.__dataclass_fields__:
        cp = dataclasses.replace(cp, needs_layout_passes=False)
    return cp


def _mesh():
    return plsc.VectorSubcoreMesh(core_axis_name="c", subcore_axis_name="s",
                                  num_cores=NC, num_subcores=NS)


EPW_DEG = E // NW


def _deg_body(dst_hbm, deg_hbm, hist, dbuf, lsem, esem):
    cid = lax.axis_index("c")
    sid = lax.axis_index("s")
    w = cid * NS + sid
    ones = jnp.full((16,), 1.0, jnp.float32)

    ld = pltpu.async_copy(dst_hbm.at[pl.ds(w * EPW_DEG, EPW_DEG)], dbuf, lsem)

    @pl.loop(0, N // 16)
    def _(i):
        hist[pl.ds(i * 16, 16)] = jnp.zeros((16,), jnp.float32)

    ld.wait()

    @pl.loop(0, EPW_DEG // 16)
    def _(g):
        plsc.addupdate_scatter(hist, [dbuf[pl.ds(g * 16, 16)]], ones)

    pltpu.async_copy(hist, deg_hbm.at[w], esem).wait()


@jax.jit
def _deg_call(dst):
    k = pl.kernel(
        _deg_body,
        out_type=jax.ShapeDtypeStruct((NW, N), jnp.float32),
        mesh=_mesh(),
        compiler_params=_sc_params(),
        scratch_types=[
            pltpu.VMEM((N,), jnp.float32),
            pltpu.VMEM((EPW_DEG,), jnp.int32),
            pltpu.SemaphoreType.DMA,
            pltpu.SemaphoreType.DMA,
        ],
    )
    return k(dst)


def _agg_body(sd_hbm, y_hbm, agg_hbm,
              ib0, ib1, ib2, ib3, rows0, rows1, agg_sh,
              lsem0, lsem1, lsem2, lsem3, gsem0, gsem1):
    cid = lax.axis_index("c")
    sid = lax.axis_index("s")
    base = (cid * NS + sid) * NCHUNK

    ibs = (ib0, ib1, ib2, ib3)
    lsems = (lsem0, lsem1, lsem2, lsem3)
    rows = (rows0, rows1)
    gsems = (gsem0, gsem1)

    l0 = pltpu.async_copy(sd_hbm.at[base], ib0, lsem0)
    pltpu.async_copy(sd_hbm.at[base + 1], ib1, lsem1)
    pltpu.async_copy(sd_hbm.at[base + 2], ib2, lsem2)

    @pl.loop(0, C)
    def _(r):
        @pl.loop(0, D // 16)
        def _(q):
            rows0[r, pl.ds(q * 16, 16)] = jnp.zeros((16,), jnp.float32)

    @pl.loop(0, RPS // C)
    def _(t):
        pltpu.sync_copy(rows0, agg_sh.at[pl.ds(sid * RPS + t * C, C)])

    l0.wait()
    pltpu.async_copy(y_hbm.at[ib0.at[0]], rows0, gsem0)
    pltpu.async_copy(sd_hbm.at[base + 3], ib3, lsem3)
    plsc.subcore_barrier()

    @pl.loop(1, NCHUNK, step=4)
    def _(j):
        for k in range(4):
            m = j + k
            s = (1 + k) % 4
            sp = k % 4
            pltpu.make_async_copy(sd_hbm.at[base + m], ibs[s], lsems[s]).wait()
            pltpu.async_copy(y_hbm.at[ibs[s].at[0]], rows[(1 + k) % 2],
                             gsems[(1 + k) % 2])
            pltpu.make_async_copy(y_hbm.at[ibs[sp].at[0]], rows[k % 2],
                                  gsems[k % 2]).wait()
            pltpu.sync_copy(rows[k % 2], agg_sh.at[ibs[sp].at[1]], add=True)
            pltpu.async_copy(sd_hbm.at[base + m + 3], ibs[sp], lsems[sp])

    pltpu.make_async_copy(y_hbm.at[ib0.at[0]], rows0, gsem0).wait()
    pltpu.sync_copy(rows0, agg_sh.at[ib0.at[1]], add=True)
    for k in range(3):
        pltpu.make_async_copy(sd_hbm.at[base + NCHUNK + k],
                              (ib1, ib2, ib3)[k],
                              (lsem1, lsem2, lsem3)[k]).wait()

    plsc.subcore_barrier()
    pltpu.sync_copy(agg_sh.at[pl.ds(sid * RPS, RPS)],
                    agg_hbm.at[pl.ds(cid * NP + sid * RPS, RPS)])


@jax.jit
def _agg_call(sd, y):
    k = pl.kernel(
        _agg_body,
        out_type=jax.ShapeDtypeStruct((NC * NP, D), jnp.float32),
        mesh=_mesh(),
        scratch_types=[
            pltpu.VMEM((2, 128), jnp.int32),
            pltpu.VMEM((2, 128), jnp.int32),
            pltpu.VMEM((2, 128), jnp.int32),
            pltpu.VMEM((2, 128), jnp.int32),
            pltpu.VMEM((C, D), jnp.float32),
            pltpu.VMEM((C, D), jnp.float32),
            pltpu.VMEM_SHARED((NP, D), jnp.float32),
            pltpu.SemaphoreType.DMA,
            pltpu.SemaphoreType.DMA,
            pltpu.SemaphoreType.DMA,
            pltpu.SemaphoreType.DMA,
            pltpu.SemaphoreType.DMA,
            pltpu.SemaphoreType.DMA,
        ],
    )
    return k(sd, y)


_RB = 1000


def _disscale_body(x_ref, w_ref, t_ref, y_ref, dis_ref):
    deg = jnp.sum(t_ref[...], axis=0) + 1.0
    dis = lax.rsqrt(deg)
    dis_ref[...] = dis[:, None]
    xw = jnp.dot(x_ref[...], w_ref[...], preferred_element_type=jnp.float32)
    y_ref[...] = xw * dis[:, None]


@jax.jit
def _disscale_call(x, W, deg_rows):
    return pl.pallas_call(
        _disscale_body,
        grid=(1,),
        in_specs=[
            pl.BlockSpec((N, D), lambda i: (0, 0)),
            pl.BlockSpec((D, D), lambda i: (0, 0)),
            pl.BlockSpec((NW, N), lambda i: (0, 0)),
        ],
        out_specs=[
            pl.BlockSpec((N, D), lambda i: (0, 0)),
            pl.BlockSpec((N, 1), lambda i: (0, 0)),
        ],
        out_shape=[
            jax.ShapeDtypeStruct((N, D), jnp.float32),
            jax.ShapeDtypeStruct((N, 1), jnp.float32),
        ],
    )(x, W, deg_rows)


def _final_body(a_ref, y_ref, dis_ref, b_ref, o_ref):
    acc = a_ref[0] + a_ref[1] + y_ref[...]
    o_ref[...] = acc * dis_ref[...] + b_ref[...][None, :]


@jax.jit
def _final_call(agg3, y, dis, b):
    return pl.pallas_call(
        _final_body,
        grid=(N // _RB,),
        in_specs=[
            pl.BlockSpec((NC, _RB, D), lambda i: (0, i, 0)),
            pl.BlockSpec((_RB, D), lambda i: (i, 0)),
            pl.BlockSpec((_RB, 1), lambda i: (i, 0)),
            pl.BlockSpec((D,), lambda i: (0,)),
        ],
        out_specs=pl.BlockSpec((_RB, D), lambda i: (i, 0)),
        out_shape=jax.ShapeDtypeStruct((N, D), jnp.float32),
    )(agg3, y, dis, b)


def kernel(x, edge_index, W, b):
    src = edge_index[0]
    dst = edge_index[1]
    npad = EPAD - E
    pad_src = (jnp.arange(npad, dtype=jnp.int32) * 97) % N
    pad_dst = N + (jnp.arange(npad, dtype=jnp.int32) % NPAD_DST)
    srcp = jnp.concatenate([src, pad_src]).reshape(NW * NCHUNK, 128)
    dstp = jnp.concatenate([dst, pad_dst]).reshape(NW * NCHUNK, 128)
    sd = jnp.stack([srcp, dstp], axis=1)
    sd = jnp.concatenate([sd, jnp.zeros((3, 2, 128), jnp.int32)])

    deg_rows = _deg_call(dst)
    y, dis = _disscale_call(x, W, deg_rows)
    agg = _agg_call(sd, y)
    out = _final_call(agg.reshape(NC, NP, D), y, dis, b)
    return out

# --- scband reference (transcript-rebuilt; emitter-appended) ---
"""Pipeline reference for scband-gcnconv-gnnb-3092376453266 (READ-ONLY COPY).

The authoritative reference and input builder live on the scoring server;
editing this copy changes nothing except your own understanding.
"""

import jax, jax.numpy as jnp
import numpy as np

N = 10000
E = 320000
D_IN = 128
D_OUT = 128


def setup_inputs(seed: int = 0) -> dict:
    key = jax.random.key(seed)
    k1, k2, k3 = jax.random.split(key, 3)
    x = jax.random.normal(k1, (N, D_IN), dtype=jnp.float32)
    edge_index = jax.random.randint(k2, (2, E), 0, N, dtype=jnp.int32)
    # GCNConv parameters: glorot-initialized weight [D_IN, D_OUT], zero bias [D_OUT]
    limit = np.sqrt(6.0 / (D_IN + D_OUT))
    W = jax.random.uniform(k3, (D_IN, D_OUT), dtype=jnp.float32, minval=-limit, maxval=limit)
    b = jnp.zeros((D_OUT,), dtype=jnp.float32)
    return {"x": x, "edge_index": edge_index, "W": W, "b": b}


def reference(x, edge_index, W, b):
    # PyG GCNConv with add_self_loops=True, normalize=True, edge_weight=1
    src = edge_index[0]
    dst = edge_index[1]
    loop = jnp.arange(N, dtype=src.dtype)
    src = jnp.concatenate([src, loop], axis=0)
    dst = jnp.concatenate([dst, loop], axis=0)
    # Linear transform first (PyG applies lin before propagate)
    xw = x @ W
    # Symmetric normalization: deg computed on dst (col) with unit edge weights
    deg = jnp.zeros((N,), dtype=jnp.float32).at[dst].add(1.0)
    deg_inv_sqrt = jnp.where(deg > 0, jax.lax.rsqrt(jnp.maximum(deg, 1e-12)), 0.0)
    norm = deg_inv_sqrt[src] * deg_inv_sqrt[dst]
    # Gather messages from source nodes, scale, scatter-add to destinations
    msg = xw[src] * norm[:, None]
    out = jnp.zeros((N, D_OUT), dtype=jnp.float32).at[dst].add(msg)
    out = out + b
    return out

if __name__ == "__main__":
    import jax
    _d = setup_inputs()
    print(jax.jit(kernel)(*tuple(_d.values())))

</pallas_src>

<mosaic_0001>
#map = affine_map<(d0, d1) -> (0)>
#map1 = affine_map<(d0, d1) -> (0, 0)>
module attributes {stable_mosaic.version = 14 : i64} {
  func.func @_deg_body(%arg0: i32, %arg1: i32, %arg2: memref<320000xi32, #tpu.memory_space<hbm>>, %arg3: memref<32x10000xf32, #tpu.memory_space<hbm>>, %arg4: memref<10000xf32, #tpu.memory_space<vmem>>, %arg5: memref<10000xi32, #tpu.memory_space<vmem>>, %arg6: memref<!tpu.dma_semaphore, #tpu.memory_space<semaphore_mem>>, %arg7: memref<!tpu.dma_semaphore, #tpu.memory_space<semaphore_mem>>) attributes {dimension_semantics = [#tpu.dimension_semantics<core_parallel>, #tpu.dimension_semantics<subcore_parallel>], iteration_bounds = array<i64: 2, 16>, scalar_prefetch = 0 : i64, scratch_operands = 4 : i64, tpu.core_type = #tpu.core_type<sc_vector_subcore>, window_params = [{transform_indices = #map}, {transform_indices = #map1}]} {
    %mul3A = arith.constant 16 : i32
    %mul3A_0 = arith.muli %arg0, %mul3A : i32
    %add3A = arith.addi %mul3A_0, %arg1 : i32
    %broadcast_in_dim3A = arith.constant 1.000000e+00 : f32
    %broadcast_in_dim3A_1 = vector.broadcast %broadcast_in_dim3A : f32 to vector<16xf32>
    %mul3A_2 = arith.constant 10000 : i32
    %mul3A_3 = arith.muli %add3A, %mul3A_2 : i32
    %dma_start3A = tpu.memref_slice %arg2[%mul3A_3] : memref<320000xi32, #tpu.memory_space<hbm>> -> memref<10000xi32, #tpu.memory_space<hbm>>
    %dma_start3A_4 = tpu.memref_slice %arg2[%mul3A_3] : memref<320000xi32, #tpu.memory_space<hbm>> -> memref<10000xi32, #tpu.memory_space<hbm>>
    tpu.enqueue_dma source(%dma_start3A_4 : memref<10000xi32, #tpu.memory_space<hbm>>) target(%arg5 : memref<10000xi32, #tpu.memory_space<vmem>>) target_semaphore(%arg6 : memref<!tpu.dma_semaphore, #tpu.memory_space<semaphore_mem>>)
    %scan3A = arith.constant 0 : i32
    %scan3A_5 = arith.constant 625 : i32
    %scan3A_6 = arith.addi %scan3A, %scan3A_5 : i32
    %scan3A_7 = arith.constant 1 : i32
    scf.for %scan3A_27 = %scan3A to %scan3A_6 step %scan3A_7  : i32 {
      %mul3A_28 = arith.constant 1 : i32
      %mul3A_29 = arith.muli %scan3A_27, %mul3A_28 : i32
      %add3A_30 = arith.constant 0 : i32
      %add3A_31 = arith.addi %add3A_30, %mul3A_29 : i32
      %broadcast_in_dim3A_32 = arith.constant 0.000000e+00 : f32
      %broadcast_in_dim3A_33 = vector.broadcast %broadcast_in_dim3A_32 : f32 to vector<16xf32>
      %mul3A_34 = arith.constant 16 : i32
      %mul3A_35 = arith.muli %add3A_31, %mul3A_34 : i32
      %swap3A = arith.index_cast %mul3A_35 : i32 to index
      %swap3A_36 = tpu.vector_load %arg4[%swap3A] {strides = array<i32>} : memref<10000xf32, #tpu.memory_space<vmem>>, vector<16xf32>,
      tpu.vector_store %arg4[%swap3A], %broadcast_in_dim3A_33 {strides = array<i32>} : memref<10000xf32, #tpu.memory_space<vmem>>, vector<16xf32>,
    }
    %scan3A_8 = arith.constant 625 : i32
    %dma_wait3A = tpu.memref_slice %arg2[%mul3A_3] : memref<320000xi32, #tpu.memory_space<hbm>> -> memref<10000xi32, #tpu.memory_space<hbm>>
    %dma_wait3A_9 = tpu.memref_slice %arg2[%mul3A_3] : memref<320000xi32, #tpu.memory_space<hbm>> -> memref<10000xi32, #tpu.memory_space<hbm>>
    tpu.wait_dma2 semaphore(%arg6 : memref<!tpu.dma_semaphore, #tpu.memory_space<semaphore_mem>>) src(%dma_wait3A_9 : memref<10000xi32, #tpu.memory_space<hbm>>) dst(%arg5 : memref<10000xi32, #tpu.memory_space<vmem>>)
    %scan3A_10 = arith.constant 0 : i32
    %scan3A_11 = arith.constant 625 : i32
    %scan3A_12 = arith.addi %scan3A_10, %scan3A_11 : i32
    %scan3A_13 = arith.constant 1 : i32
    scf.for %scan3A_27 = %scan3A_10 to %scan3A_12 step %scan3A_13  : i32 {
      %mul3A_28 = arith.constant 1 : i32
      %mul3A_29 = arith.muli %scan3A_27, %mul3A_28 : i32
      %add3A_30 = arith.constant 0 : i32
      %add3A_31 = arith.addi %add3A_30, %mul3A_29 : i32
      %mul3A_32 = arith.constant 16 : i32
      %mul3A_33 = arith.muli %add3A_31, %mul3A_32 : i32
      %get3A = arith.index_cast %mul3A_33 : i32 to index
      %get3A_34 = tpu.vector_load %arg5[%get3A] {strides = array<i32>} : memref<10000xi32, #tpu.memory_space<vmem>>, vector<16xi32>,
      tpu.vector_store_idx %arg4[%get3A_34], %broadcast_in_dim3A_1 {add = true} : memref<10000xf32, #tpu.memory_space<vmem>>[vector<16xi32>], vector<16xf32>,
    }
    %scan3A_14 = arith.constant 625 : i32
    %dma_start3A_15 = arith.constant 0 : i32
    %dma_start3A_16 = tpu.memref_slice %arg3[%add3A, %dma_start3A_15] : memref<32x10000xf32, #tpu.memory_space<hbm>> -> memref<1x10000xf32, #tpu.memory_space<hbm>>
    %dma_start3A_17 = tpu.memref_squeeze %dma_start3A_16 : memref<1x10000xf32, #tpu.memory_space<hbm>> -> memref<10000xf32, #tpu.memory_space<hbm>>
    %dma_start3A_18 = arith.constant 0 : i32
    %dma_start3A_19 = tpu.memref_slice %arg3[%add3A, %dma_start3A_18] : memref<32x10000xf32, #tpu.memory_space<hbm>> -> memref<1x10000xf32, #tpu.memory_space<hbm>>
    %dma_start3A_20 = tpu.memref_squeeze %dma_start3A_19 : memref<1x10000xf32, #tpu.memory_space<hbm>> -> memref<10000xf32, #tpu.memory_space<hbm>>
    tpu.enqueue_dma source(%arg4 : memref<10000xf32, #tpu.memory_space<vmem>>) target(%dma_start3A_20 : memref<10000xf32, #tpu.memory_space<hbm>>) target_semaphore(%arg7 : memref<!tpu.dma_semaphore, #tpu.memory_space<semaphore_mem>>)
    %dma_wait3A_21 = arith.constant 0 : i32
    %dma_wait3A_22 = tpu.memref_slice %arg3[%add3A, %dma_wait3A_21] : memref<32x10000xf32, #tpu.memory_space<hbm>> -> memref<1x10000xf32, #tpu.memory_space<hbm>>
    %dma_wait3A_23 = tpu.memref_squeeze %dma_wait3A_22 : memref<1x10000xf32, #tpu.memory_space<hbm>> -> memref<10000xf32, #tpu.memory_space<hbm>>
    %dma_wait3A_24 = arith.constant 0 : i32
    %dma_wait3A_25 = tpu.memref_slice %arg3[%add3A, %dma_wait3A_24] : memref<32x10000xf32, #tpu.memory_space<hbm>> -> memref<1x10000xf32, #tpu.memory_space<hbm>>
    %dma_wait3A_26 = tpu.memref_squeeze %dma_wait3A_25 : memref<1x10000xf32, #tpu.memory_space<hbm>> -> memref<10000xf32, #tpu.memory_space<hbm>>
    tpu.wait_dma2 semaphore(%arg7 : memref<!tpu.dma_semaphore, #tpu.memory_space<semaphore_mem>>) src(%arg4 : memref<10000xf32, #tpu.memory_space<vmem>>) dst(%dma_wait3A_26 : memref<10000xf32, #tpu.memory_space<hbm>>)
    return
  }
}

</mosaic_0001>

<sc_bundles>
// kernel: _deg_call.3.cloned.1.call-start
scs
__scs_entry_jumppad:
0x0: {  	(pc) =	sbr.rel $0x88, $3  }
0x1: {  	(tag) =	ssettag $0x0;
	lr =	simm.s32 $0x1  }
0x2: {  	[smem:$0x3FA0] =	sst lr;
	_ =	strace $0xD0000000  }
0x3: {  	_ = 	snop  }
0x4: {  	_ = 	snop  }
0x5: {  	_ = 	snop  }
0x6: {  	_ = 	snop  }
0x7: {  	_ = 	snop  }
__scs_overlays_trampoline_lowered:
0x8: {  	[smem:$0x3FAF] =	sst s0  }
0x9: {  	[smem:$0x3FB0] =	sst s1  }
0xa: {  	[smem:$0x3FB1] =	sst s2  }
0xb: {  	[smem:$0x3FB2] =	sst s3  }
0xc: {  	[smem:$0x3FB3] =	sst s4  }
0xd: {  	[smem:$0x3FB4] =	sst s5  }
0xe: {  	[smem:$0x3FB5] =	sst s6  }
0xf: {  	[smem:$0x3FB6] =	sst s7  }
0x10: {  	[smem:$0x3FB7] =	sst s8  }
0x11: {  	[smem:$0x3FB8] =	sst s9;
	s0 =	simm.s32 @!p0 $0x0  }
0x12: {  	s1 =	sld [smem:$0x3F9E];
	s0 =	simm.s32 @p0 $0x1  }
0x13: {  	[smem:$0x3FB9] =	sst s0;
	s0 =	simm.s32 @!p1 $0x0  }
0x14: {  	s2 =	sld [smem:$0x3F9D];
	s0 =	simm.s32 @p1 $0x1  }
0x15: {  	[smem:$0x3FBA] =	sst s0;
	s0 =	simm.s32 @!p2 $0x0  }
0x16: {  	s3 =	sld [smem:$0x3FDB];
	s0 =	simm.s32 @p2 $0x1  }
0x17: {  	s4 =	simm.s32 $0x1BF5;
	[smem:$0x3FBC] =	sst s0  }
0x18: {  	s0 =	sld [smem:$0x3F9F];
	_ =	swait.ge [sflag:s4], $0x0  }
0x19: {  	s7 =	sld [smem:$0x3FA0]  }
0x1a: {  	s8 =	sadd.s32 $0xFFFFE003, lr  }
0x1b: {  	s9 =	sadd.s32 $0xFFFFFEF7, lr;
	s5 =	simm.s32 $0xFFFFFFFF;
	p2 =	slt.u32 s8, $0xFFFFF086  }
0x1c: {  	p1 =	slt.u32 s9, $0xF7A;
	s5 =	simm.s32 @!p2 $0x0  }
0x1d: {  	s5 =	simm.s32 @p1 $0x1;
	p0 =	seq.s32 s7, s2  }
0x1e: {  	s7 =	smul.u32 @!p0 $0xF7A, s2;
	p2 =	seq.s32 @!p0 s5, $0x0  }
0x1f: {  	s9 =	smul.u32 $0xF7A, s1;
	s8 =	simm.s32 @!p0 $0x1BF5;
	p2 =	por !p2, p0  }
0x20: {  	[sflag:s8] =	ssyncset.s32 @!p0 $0xFFFFF086;
	s6 =	sadd.s32 @!p0 s3, s7;
	s7 =	simm.s32 @!p0 $0x108  }
0x21: {  	s3 =	sadd.s32 s3, s9;
	s6 =	sadd.s32 @!p0 $0x88, s6;
	s7 =	simm.s32 @p2 $0x1082  }
0x22: {  	[simem:s7], [sflag:s8] =	dma.local @!p0 [hbm:s6], $0xF7A  }
0x23: {  	s9 =	sor.u32 $0xD0000000, s2;
	s6 =	simm.s32 $0x108;
	_ =	swait.ge @!p0 [sflag:s8], $0x0  }
0x24: {  	s3 =	sadd.s32 $0x88, s3;
	s6 =	simm.s32 @!p1 $0x1082;
	[sflag:s4] =	ssyncset.s32 $0xFFFFF086  }
0x25: {  	[simem:s6], [sflag:s4] =	dma.local [hbm:s3], $0xF7A  }
0x26: {  	[smem:$0x3FA0] =	sst s1;
	(tag) =	ssettag s2;
	_ =	strace s9  }
0x27: {  	s1 =	sld [smem:$0x3FB0]  }
0x28: {  	s2 =	sld [smem:$0x3FB1]  }
0x29: {  	s4 =	sld [smem:$0x3FB3]  }
0x2a: {  	p0 =	seq.s32 s5, $0x0;
	s5 =	sld [smem:$0x3FB4]  }
0x2b: {  	s6 =	sld [smem:$0x3FB5]  }
0x2c: {  	s7 =	sld [smem:$0x3FB6]  }
0x2d: {  	s3 =	simm.s32 $0x108;
	s8 =	sld [smem:$0x3FB7]  }
0x2e: {  	s3 =	simm.s32 @!p0 $0x1082;
	s9 =	sld [smem:$0x3FB8]  }
0x2f: {  	lr =	sadd.s32 s0, s3;
	s0 =	sld [smem:$0x3FAF]  }
0x30: {  	s3 =	sld [smem:$0x3FB2]  }
0x31: {  	[smem:$0x3FBB] =	sst s10  }
0x32: {  	s10 =	sld [smem:$0x3FB9];
	_ =	sdelay $0x3  }
0x33: {  	p0 =	seq.s32 s10, $0x1;
	s10 =	sld [smem:$0x3FBB];
	_ =	sdelay $0x3  }
0x34: {  	[smem:$0x3FBB] =	sst s10  }
0x35: {  	s10 =	sld [smem:$0x3FBA];
	_ =	sdelay $0x3  }
0x36: {  	p1 =	seq.s32 s10, $0x1;
	s10 =	sld [smem:$0x3FBB];
	_ =	sdelay $0x3  }
0x37: {  	[smem:$0x3FBB] =	sst s10  }
0x38: {  	s10 =	sld [smem:$0x3FBC]  }
0x39: {  	_ = 	snop;
	(pc) =	sbr.ind lr, $3  }
0x3a: {  	_ = 	snop  }
0x3b: {  	_ = 	snop  }
0x3c: {  	p2 =	seq.s32 s10, $0x1;
	s10 =	sld [smem:$0x3FBB]  }
0x3d: {  	_ =	shalt  }
0x3e: {  	_ =	shalt  }
0x3f: {  	_ =	shalt  }
0x40: {  	_ =	shalt  }
0x41: {  	_ =	shalt  }
0x42: {  	_ =	shalt  }
0x43: {  	_ =	shalt  }
0x44: {  	_ =	shalt  }
0x45: {  	_ =	shalt  }
0x46: {  	_ =	shalt  }
0x47: {  	_ =	shalt  }
0x48: {  	_ =	shalt  }
0x49: {  	_ =	shalt  }
0x4a: {  	_ =	shalt  }
0x4b: {  	_ =	shalt  }
0x4c: {  	_ =	shalt  }
0x4d: {  	_ =	shalt  }
0x4e: {  	_ =	shalt  }
0x4f: {  	_ =	shalt  }
0x50: {  	_ =	shalt  }
0x51: {  	_ =	shalt  }
0x52: {  	_ =	shalt  }
0x53: {  	_ =	shalt  }
0x54: {  	_ =	shalt  }
0x55: {  	_ =	shalt  }
0x56: {  	_ =	shalt  }
0x57: {  	_ =	shalt  }
0x58: {  	_ =	shalt  }
0x59: {  	_ =	shalt  }
0x5a: {  	_ =	shalt  }
0x5b: {  	_ =	shalt  }
0x5c: {  	_ =	shalt  }
0x5d: {  	_ =	shalt  }
0x5e: {  	_ =	shalt  }
0x5f: {  	_ =	shalt  }
0x60: {  	_ =	shalt  }
0x61: {  	_ =	shalt  }
0x62: {  	_ =	shalt  }
0x63: {  	_ =	shalt  }
0x64: {  	_ =	shalt  }
0x65: {  	_ =	shalt  }
0x66: {  	_ =	shalt  }
0x67: {  	_ =	shalt  }
0x68: {  	_ =	shalt  }
0x69: {  	_ =	shalt  }
0x6a: {  	_ =	shalt  }
0x6b: {  	_ =	shalt  }
0x6c: {  	_ =	shalt  }
0x6d: {  	_ =	shalt  }
0x6e: {  	_ =	shalt  }
0x6f: {  	_ =	shalt  }
0x70: {  	_ =	shalt  }
0x71: {  	_ =	shalt  }
0x72: {  	_ =	shalt  }
0x73: {  	_ =	shalt  }
0x74: {  	_ =	shalt  }
0x75: {  	_ =	shalt  }
0x76: {  	_ =	shalt  }
0x77: {  	_ =	shalt  }
0x78: {  	_ =	shalt  }
0x79: {  	_ =	shalt  }
0x7a: {  	_ =	shalt  }
0x7b: {  	_ =	shalt  }
0x7c: {  	_ =	shalt  }
0x7d: {  	_ =	shalt  }
0x7e: {  	_ =	shalt  }
0x7f: {  	_ =	shalt  }
0x80: {  	_ =	shalt  }
0x81: {  	_ =	shalt  }
0x82: {  	_ =	shalt  }
0x83: {  	_ =	shalt  }
0x84: {  	_ =	shalt  }
0x85: {  	_ =	shalt  }
0x86: {  	_ =	shalt  }
0x87: {  	_ =	shalt  }
.Lfunc_end0:
.L_simem_size_0:
called_computation_lowered:
.L_overlay_start_0:
0x88: {  	s2 =	sld [smem:$0x3FD9]  }
0x89: {  	s3 =	sld [smem:$0x3FFE];
	_ =	sdelay $0x1  }
0x8a: {  	s1 =	srdreg.scid  }
0x8b: {  	s0 =	sand.u32 $0x1, s1  }
0x8c: {  	s18 =	sshll.u32 s0, $0xA;
	s2 =	sadd.s32 s3, s2  }
0x8d: {  	s2 =	sadd.s32 s2, s18  }
0x8e: {  	[smem:$0x3FC7] =	sst s2  }
0x8f: {  	_ = 	snop  }
0x90: {  	s2 =	sld [smem:$0x3FC9]  }
0x91: {  	s19 =	sld [smem:$0x3FD0];
	(tm) =	ssettm $0x1  }
0x92: {  	s4 =	sld [smem:$0x3FFB];
	_ =	sdelay $0x3  }
0x93: {  	_ =	strace s4  }
0x94: {  	s4 =	sld [smem:$0x3FFC];
	_ =	sdelay $0x3  }
0x95: {  	_ =	strace s4  }
0x96: {  	s4 =	sld [smem:$0x3FFD];
	_ =	sdelay $0x3  }
0x97: {  	_ =	strace s4  }
0x98: {  	_ =	strace $0x8FFFFFFF  }
0x99: {  	s20 =	sld [smem:$0x3FDB];
	_ =	sdelay $0x1  }
0x9a: {  	s5 =	simm.s32 $_scs_section_size  }
0x9b: {  	s6 =	simm.s32 $_size__tile_overlayer_lowered;
	s7 =	simm.s32 $_tile_overlayer_lowered  }
0x9c: {  	s23 =	simm.s32 $0x1BFF;
	s22 =	sshll.u32 s7, $0x1;
	s4 =	sadd.s32 s5, s20  }
0x9d: {  	s8 =	simm.s32 $0x0;
	s21 =	sshll.u32 s6, $0x1;
	s6 =	sadd.s32 s22, s4  }
0x9e: {  	[timem:s8], [sflag:s23] =	dma.local [hbm:s6], s21  }
0x9f: {  	_ =	swait.ge [sflag:s23], s21  }
0xa0: {  	s5 =	ssub.s32 $0x0, s21;
	[sflag:s23] =	ssyncset.done $0x0  }
0xa1: {  	[sflag:s23] =	ssyncadd.s32 s5;
	_ =	sdelay $0x1  }
0xa2: {  	s24 =	simm.s32 $0x1B8B  }
0xa3: {  	_ =	swait.ge [sflag:s24], $0x1  }
0xa4: {  	[sflag:s24] =	ssyncset.done $0x0  }
0xa5: {  	s25 =	simm.s32 $0x1B8E;
	[sflag:s24] =	ssyncadd.s32 $0xFFFFFFFF  }
0xa6: {  	s26 =	simm.s32 $execute0_lowered;
	[smem:$0x3FD2] =	sst s25  }
0xa7: {  	s5 =	sshll.u32 s26, $0x1;
	_ =	strace $0x80000046;
	[dreg:$0x1] =	wrdreg $0xFFFFFFFF  }
0xa8: {  	s28 =	simm.s32 $_size_execute0_lowered;
	s4 =	sadd.s32 s4, s5;
	[dreg:$0x0] =	wrdreg $0x0  }
0xa9: {  	s5 =	sshll.u32 s28, $0x1;
	[dreg:$0x2] =	wrdreg s4  }
0xaa: {  	[dreg:$0x3] =	wrdreg s5  }
0xab: {  	[dreg:$0x4] =	wrdreg $0xC0  }
0xac: {  	_ =	task [dreg:s8], $0x5FFFF  }
0xad: {  	[dreg:$0x1] =	wrdreg $0xFFFFFFFF  }
0xae: {  	[dreg:$0x0] =	wrdreg $0x60  }
0xaf: {  	[dreg:$0x2] =	wrdreg s2  }
0xb0: {  	[dreg:$0x3] =	wrdreg s19  }
0xb1: {  	[dreg:$0x4] =	wrdreg $0x9  }
0xb2: {  	_ =	task.clear_ibuf [dreg:s8], $0x5FFFF;
	_ =	strace $0x90000046  }
0xb3: {  	s29 =	simm.s32 $0x9;
	_ =	strace $0x80000048  }
0xb4: {  	_ =	swait.ge [sflag:s29], $0x1  }
0xb5: {  	[sflag:s29] =	ssyncadd.s32 $0xFFFFFFFF  }
0xb6: {  	_ =	strace $0x90000048  }
0xb7: {  	_ =	sfence  }
0xb8: {  	s30 =	sld [smem:$0x0];
	_ =	sdelay $0x2  }
0xb9: {  	s31 =	sshll.u32 s1, $0xD;
	s1 =	sshrl.u32 s1, $0x2  }
0xba: {  	s3 =	sand.u32 $0x4000, s31;
	s1 =	sadd.s32 s1, s30  }
0xbb: {  	s0 =	sor.u32 s3, s0;
	s1 =	sshll.u32 s1, $0x11  }
0xbc: {  	s0 =	sor.u32 s1, s0  }
0xbd: {  	s0 =	sadd.s32 $0x8F2B, s0  }
0xbe: {  	[sflag:s0] =	ssyncadd.remote.s32 $0x1  }
0xbf: {  	_ =	sfence.sel $0xFFFF  }
0xc0: {  	[dreg:$0x0] =	wrdreg $0xFFFFFFFF;
	(pc) =	sbr.abs _section_cstart, $3  }
0xc1: {  	[dreg:$0x1] =	wrdreg $0xFFFFFFFF  }
0xc2: {  	_ =	task.clear_ibuf [dreg:s8], $0x2FFFF;
	_ =	strace $0x9FFFFFFF  }
0xc3: {  	(tm) =	ssettm $0x7FFFFFFF  }
tec
execute0_lowered:
.L_overlay_start_1:
0x0: {  	(tag) =	ssettag $0x1  }
0x1: {  	s4 =	rddreg [dreg:$0x0]  }
0x2: {  	s0 =	srdreg.scid;
	s5 =	rddreg [dreg:$0x1]  }
0x3: {  	s2 =	simm.s32 $0x0;
	s10 =	simm.s32 $0x2;
	s3 =	sand.u32 $0x1, s0  }
0x4: {  	s11 =	simm.s32 $0x0;
	s0 =	stileid.u32;
	s1 =	sshll.u32 s3, $0x4  }
0x5: {  	[smem:$0x7FF] =	sst s2;
	s8 =	sshll.u32 s0, $0x7;
	s6 =	sor.u32 s0, s1  }
0x6: {  	s3 =	ssub.s32 $0x2, s3;
	s7 =	sshrl.u32 s6, $0x3;
	s6 =	smul.u32 $0x4E2, s6  }
0x7: {  	s1 =	rddreg [dreg:$0x2];
	s9 =	sshrl.u32 s3, $0x1;
	s7 =	smul.u32 $0x13C00, s7  }
0x8: {  	s8 =	sand.u32 $0x380, s8;
	_ =	strace $0x80000047;
	s31 =	ssub.s32 s3, s9  }
0x9: {  	s9 =	simm.s32 $0x400;
	s3 =	sadd.s32 s4, s6;
	s7 =	sor.u32 s8, s7  }
0xa: {  	s6 =	simm.s32 $0x2780;
	s8 =	simm.s32 $0x80;
	s7 =	sshrl.u32 s7, $0x3  }
0xb: {  	v0 =	vimm.f32 $0.0e+00;
	v1 =	vimm.f32 $1.000000000e+00;
	s4 =	sadd.s32 s5, s7;
	s5 =	smax.u32 s31, $0x1;
	s7 =	simm.s32 $0x1  }
.LBB2_1:
0xc: {  	[tilespmem:s6], [sflag:$0x1] =	stream.linear.gather [hbm4b:s3+s2], $0x2710, $0x38;
	[tilespmem:$0x4F00] =	vst v63  }
0xd: {  	s12 =	simm.s32 $0x40;
	s13 =	simm.s32 $0x0  }
.LBB2_2:
0xe: {  	p0 =	sne.s32 s12, $0x9C00;
	[tilespmem:s13+$0x0] =	vst v0;
	s13 =	smov.u32 s12;
	s12 =	sadd.s32 $0x40, s12  }
.Ltmp0:
0xf: {  	(pc) =	sbr.rel @p0 .LBB2_2-.Ltmp0, $2  }
0x10: {  	_ =	sdelay $0x2  }
0x11: {  	s13 =	sshra.s32 s13, $0x2  }
0x12: {  	[tilespmem:s13+$0x0] =	vst v0  }
0x13: {  	_ =	swait.ge [sflag:s7], $0x2710  }
0x14: {  	[sflag:s7] =	ssyncset.done $0x0  }
0x15: {  	s13 =	simm.s32 $0x0;
	s12 =	simm.s32 $0x40;
	[sflag:s7] =	ssyncadd.s32 $0xFFFFD8F0  }
.LBB2_4:
0x16: {  	p0 =	sne.s32 s12, $0x9C00;
	v2 =	vld [tilespmem:s13+$0x2780];
	_ =	sdelay $0x3  }
.Ltmp1:
0x17: {  	(pc) =	sbr.rel @p0 .LBB2_4-.Ltmp1, $2  }
0x18: {  	_ =	sdelay $0x2  }
0x19: {  	s13 =	sshra.s32 s12, $0x2;
	s12 =	sadd.s32 $0x40, s12;
	[tilespmem:v2+s2+$0x0] =	vst.idx.add.f32.msk $0xffff, v1  }
0x1a: {  	v2 =	vld [tilespmem:s13+$0x2780];
	_ =	sdelay $0x5  }
0x1b: {  	s11 =	sadd.s32 $0x1, s11  }
0x1c: {  	p0 =	sne.s32 s11, s5  }
.Ltmp2:
0x1d: {  	[tilespmem:v2+s2+$0x0] =	vst.idx.add.f32.msk $0xffff, v1;
	(pc) =	sbr.rel @p0 .LBB2_1-.Ltmp2, $4  }
0x1e: {  	[hbm4b:s4+s8] =	stream.strided.scatter [tilespmem:s2], [sflag:$0x2], $0x2780, s9, s8, $0x38;
	[tilespmem:$0x4F00] =	vst v63  }
0x1f: {  	_ =	swait.ge [sflag:s10], $0x2780  }
0x20: {  	[sflag:s10] =	ssyncset.done $0x0  }
0x21: {  	[sflag:s10] =	ssyncadd.s32 $0xFFFFD880  }
0x22: {  	_ =	sfence.sel $0x180000  }
0x23: {  	[bflag:$0x0] =	sbarrier.arrive $0xFFFF  }
0x24: {  	p0 =	sne.s32 s0, $0x0;
	_ =	strace $0x90000047  }
0x25: {  	s0 =	sadd.s32 @!p0 $0x100000, s1;
	[bflag:$0x2] =	sbarrier.arrive $0xFFFF  }
0x26: {  	[sflag:s0] =	ssyncadd.tile.s32 @!p0 $0x1;
	_ =	shalt  }
.Lfunc_end2:
_tile_overlayer_lowered:
.L_overlay_start_2:
0x27: {  	(tag) =	ssettag $0x2  }
0x28: {  	s0 =	rddreg [dreg:$0x0];
	s2 =	stileid.u32  }
0x29: {  	s1 =	rddreg [dreg:$0x1];
	p0 =	sne.s32 s2, $0x0  }
0x2a: {  	s3 =	rddreg [dreg:$0x2];
	[bflag:$0x3] =	sbarrier.arrive $0xFFFF;
	s2 =	simm.s32 @!p0 $0x1C03  }
0x2b: {  	[timem:s3], [sflag:s2] =	dma.local @!p0 [hbm:s0], s1  }
0x2c: {  	s0 =	simm.s32 @!p0 $0x3  }
0x2d: {  	_ =	swait.ge @!p0 [sflag:s0], s1  }
0x2e: {  	s1 =	ssub.s32 @!p0 $0x0, s1;
	[sflag:s0] =	ssyncset.done @!p0 $0x0  }
0x2f: {  	[sflag:s0] =	ssyncadd.s32 @!p0 s1  }
0x30: {  	[bflag:$0x3] =	sbarrier.arrive $0xFFFF  }
0x31: {  	_ =	shalt  }

</sc_bundles>
